<compile_context>
chip_gen: v7x
topology: tpu7x:2x2x1
jax: 0.10.2.dev20260603
libtpu: 0.0.44.dev20260713+nightly
codegen_flags: <defaults>
</compile_context>

<pallas_src>
import functools

import jax
import jax.numpy as jnp
from jax import lax
from jax.experimental import pallas as pl
from jax.experimental.pallas import tpu as pltpu
from jax.experimental.pallas import tpu_sc as plsc

N_NODES = 4096
FEAT_DIM = 128
M_EDGES = 1024
BLK = 1024
NB = N_NODES // BLK
_PAIRS = ([(0, 0)]
          + [(i, k) for i in range(NB) for k in range(i + 1, NB)]
          + [(i, i) for i in range(1, NB)])
NPAIR = len(_PAIRS)


def _tc_body(i_list, k_list, lik_ref, x_ref, s_ref, l_hbm,
             z_ref, oij_ref,
             mir_ref, sem):
    p = pl.program_id(0)
    bi = i_list[p]
    bk = k_list[p]

    @pl.when(p == 0)
    def _init():
        z_ref[...] = x_ref[...]
        s = s_ref[...]
        idxf = s.astype(jnp.float32)
        t = jnp.float32(2 * N_NODES - 1)
        ii = jnp.floor((t - jnp.sqrt(t * t - 8.0 * idxf)) / 2.0).astype(jnp.int32)
        nb = ii * N_NODES - ((ii * (ii + 1)) >> 1)
        jj = ii + 1 + (s - nb)
        oij = jnp.stack([ii, jj], axis=-1).reshape(8, 256)
        oij = jnp.where(oij < 0, oij + N_NODES, oij)
        oij_ref[...] = jnp.clip(oij, 0, N_NODES - 1)
        nbi1 = i_list[1]
        nbk1 = k_list[1]

        @pl.when(jnp.logical_and(NPAIR > 1, nbi1 != nbk1))
        def _prime():
            pltpu.make_async_copy(
                l_hbm.at[pl.ds(nbk1 * BLK, BLK), pl.ds(nbi1 * BLK, BLK)],
                mir_ref.at[1 % 3], sem.at[1 % 3]).start()

    nbi = i_list[p + 2]
    nbk = k_list[p + 2]

    @pl.when(jnp.logical_and(p + 2 < NPAIR, nbi != nbk))
    def _prefetch_next():
        pltpu.make_async_copy(
            l_hbm.at[pl.ds(nbk * BLK, BLK), pl.ds(nbi * BLK, BLK)],
            mir_ref.at[(p + 2) % 3], sem.at[(p + 2) % 3]).start()

    a = (lik_ref[...] > 0.0).astype(jnp.bfloat16)

    def _tile(mirror_f32):
        bt = (mirror_f32 > 0.0).astype(jnp.bfloat16).T
        return jnp.maximum(a, bt)

    def _accum(a_t):
        xk = x_ref[pl.ds(bk * BLK, BLK), :].astype(jnp.bfloat16)
        z_ref[pl.ds(bi * BLK, BLK), :] += jnp.dot(
            a_t, xk, preferred_element_type=jnp.float32)

    @pl.when(bi == bk)
    def _diag():
        a_t = _tile(lik_ref[...])
        rows = lax.broadcasted_iota(jnp.int32, (BLK, BLK), 0)
        cols = lax.broadcasted_iota(jnp.int32, (BLK, BLK), 1)
        _accum(jnp.where(rows == cols, jnp.bfloat16(0), a_t))

    @pl.when(bi != bk)
    def _offdiag():
        pltpu.make_async_copy(
            l_hbm.at[pl.ds(bk * BLK, BLK), pl.ds(bi * BLK, BLK)],
            mir_ref.at[p % 3], sem.at[p % 3]).wait()
        a_t = _tile(mir_ref[p % 3])
        _accum(a_t)
        xi = x_ref[pl.ds(bi * BLK, BLK), :].astype(jnp.bfloat16)
        contrib = lax.dot_general(
            a_t, xi, (((0,), (0,)), ((), ())),
            preferred_element_type=jnp.float32)
        z_ref[pl.ds(bk * BLK, BLK), :] += contrib


def _tc_call(A_logits, X, sampled_2d, interpret=False):
    grid_spec = pltpu.PrefetchScalarGridSpec(
        num_scalar_prefetch=2,
        grid=(NPAIR,),
        in_specs=[
            pl.BlockSpec((BLK, BLK), lambda p, il, kl: (il[p], kl[p])),
            pl.BlockSpec((N_NODES, FEAT_DIM), lambda p, il, kl: (0, 0)),
            pl.BlockSpec((8, 128), lambda p, il, kl: (0, 0)),
            pl.BlockSpec(memory_space=pl.ANY),
        ],
        out_specs=[
            pl.BlockSpec((N_NODES, FEAT_DIM), lambda p, il, kl: (0, 0)),
            pl.BlockSpec((8, 256), lambda p, il, kl: (0, 0)),
        ],
        scratch_shapes=[
            pltpu.VMEM((3, BLK, BLK), jnp.float32),
            pltpu.SemaphoreType.DMA((3,)),
        ],
    )
    i_list = jnp.asarray([q[0] for q in _PAIRS] + [0, 0], dtype=jnp.int32)
    k_list = jnp.asarray([q[1] for q in _PAIRS] + [0, 0], dtype=jnp.int32)
    return pl.pallas_call(
        _tc_body,
        grid_spec=grid_spec,
        out_shape=[
            jax.ShapeDtypeStruct((N_NODES, FEAT_DIM), jnp.float32),
            jax.ShapeDtypeStruct((8, 256), jnp.int32),
        ],
        interpret=interpret,
    )(i_list, k_list, A_logits, X, sampled_2d, A_logits)


_GATHER_ROWS = 2 * M_EDGES
_ROWS_PER_W = _GATHER_ROWS // 32


def _sc_gather(table, idx):
    mesh = plsc.VectorSubcoreMesh(core_axis_name="c", subcore_axis_name="s")

    @functools.partial(
        pl.kernel,
        mesh=mesh,
        out_type=jax.ShapeDtypeStruct((_GATHER_ROWS, FEAT_DIM), jnp.float32),
        scratch_types=[
            pltpu.VMEM((_ROWS_PER_W,), jnp.int32),
            pltpu.VMEM((_ROWS_PER_W, FEAT_DIM), jnp.float32),
            pltpu.SemaphoreType.DMA,
        ],
    )
    def gather_kernel(table_hbm, idx_hbm, out_hbm, idx_v, rows_v, sem):
        wid = lax.axis_index("s") * 2 + lax.axis_index("c")
        base = wid * _ROWS_PER_W
        pltpu.sync_copy(idx_hbm.at[pl.ds(base, _ROWS_PER_W)], idx_v)
        pltpu.async_copy(table_hbm.at[idx_v], rows_v, sem).wait()
        pltpu.sync_copy(rows_v, out_hbm.at[pl.ds(base, _ROWS_PER_W)])

    return gather_kernel(table, idx)


def kernel(X, A_logits, sampled_indices):
    sampled_2d = sampled_indices.astype(jnp.int32).reshape(8, 128)
    z, oij = _tc_call(A_logits, X, sampled_2d)
    rows = _sc_gather(z, oij.reshape(-1))
    return rows.reshape(-1)

# --- scband reference (transcript-rebuilt; emitter-appended) ---
"""Pipeline reference for scband-fingerprint-set-62371515072949 (READ-ONLY COPY).

The authoritative reference and input builder live on the scoring server;
editing this copy changes nothing except your own understanding.
"""

import jax, jax.numpy as jnp
import numpy as np

N_NODES = 4096
FEAT_DIM = 128
M_EDGES = 1024


def setup_inputs(seed: int = 0) -> dict:
    key = jax.random.key(seed)
    kA, kX, kI = jax.random.split(key, 3)
    n, d, m = N_NODES, FEAT_DIM, M_EDGES
    # FingerprintGraph._init_adj: symmetric bernoulli(p=0.1) adjacency -> logits
    A = (jax.random.uniform(kA, (n, n)) < 0.1).astype(jnp.float32)
    A = A * (1.0 - jnp.eye(n, dtype=jnp.float32))
    A = jnp.maximum(A, A.T)
    eps = 1e-4
    Ac = jnp.clip(A, eps, 1.0 - eps)
    A_logits = jnp.log(Ac / (1.0 - Ac))
    # FingerprintGraph.X ~ U(-0.5, 0.5)
    X = jax.random.uniform(kX, (n, d), minval=-0.5, maxval=0.5, dtype=jnp.float32)
    num_possible = n * (n - 1) // 2
    sampled_indices = jax.random.randint(kI, (m,), 0, num_possible, dtype=jnp.int64) if jax.config.jax_enable_x64 else jax.random.randint(kI, (m,), 0, num_possible, dtype=jnp.int32)
    return {"X": X, "A_logits": A_logits, "sampled_indices": sampled_indices}


def reference(X, A_logits, sampled_indices):
    n, d = X.shape
    # FingerprintGraph.edge_index(): threshold sigmoid(A_logits), zero diag, symmetrize
    A = jax.nn.sigmoid(A_logits)
    A = (A > 0.5).astype(jnp.float32)
    A = A * (1.0 - jnp.eye(n, dtype=A.dtype))
    A = jnp.maximum(A, A.T)
    # model.encode(x, edge_index) stand-in: one dense graph propagation z = A @ X + X
    z = jnp.dot(A, X) + X
    # _idx_to_edge vectorized (same float32 math as torch original)
    idxf = sampled_indices.astype(jnp.float32)
    two_n_m1 = jnp.float32(2 * n - 1)
    i = jnp.floor((two_n_m1 - jnp.sqrt(two_n_m1 * two_n_m1 - 8.0 * idxf)) / 2.0).astype(sampled_indices.dtype)
    num_before_i = i * n - i * (i + 1) // 2
    j = i + 1 + (sampled_indices - num_before_i)
    # gather edge embeddings: per edge cat([z[i], z[j]]), then flatten (torch.cat of 1-D)
    zi = z[i]
    zj = z[j]
    edge_emb = jnp.concatenate([zi, zj], axis=1).reshape(-1)
    return edge_emb


if False:  # reference __main__ guard neutralized (emitter)
    out = reference(**setup_inputs())
    print(out.shape, out.dtype)

if __name__ == "__main__":
    import jax
    _d = setup_inputs()
    print(jax.jit(kernel)(*tuple(_d.values())))

</pallas_src>

<mosaic_0001>
#map = affine_map<(d0, d1) -> (0, 0)>
#map1 = affine_map<(d0, d1) -> (0)>
module attributes {stable_mosaic.version = 14 : i64} {
  func.func @gather_kernel(%arg0: i32, %arg1: i32, %arg2: memref<4096x128xf32, #tpu.memory_space<hbm>>, %arg3: memref<2048xi32, #tpu.memory_space<hbm>>, %arg4: memref<2048x128xf32, #tpu.memory_space<hbm>>, %arg5: memref<64xi32, #tpu.memory_space<vmem>>, %arg6: memref<64x128xf32, #tpu.memory_space<vmem>>, %arg7: memref<!tpu.dma_semaphore, #tpu.memory_space<semaphore_mem>>) attributes {dimension_semantics = [#tpu.dimension_semantics<core_parallel>, #tpu.dimension_semantics<subcore_parallel>], iteration_bounds = array<i64: 2, 16>, scalar_prefetch = 0 : i64, scratch_operands = 3 : i64, tpu.core_type = #tpu.core_type<sc_vector_subcore>, window_params = [{transform_indices = #map}, {transform_indices = #map1}, {transform_indices = #map}]} {
    %mul3A = arith.constant 2 : i32
    %mul3A_0 = arith.muli %arg1, %mul3A : i32
    %add3A = arith.addi %mul3A_0, %arg0 : i32
    %mul3A_1 = arith.constant 64 : i32
    %mul3A_2 = arith.muli %add3A, %mul3A_1 : i32
    "tpu.region"() ({
      %run_scoped3A = tpu.sem_alloc : memref<!tpu.dma_semaphore, #tpu.memory_space<semaphore_mem>>
      %dma_start3A_7 = tpu.memref_slice %arg3[%mul3A_2] : memref<2048xi32, #tpu.memory_space<hbm>> -> memref<64xi32, #tpu.memory_space<hbm>>
      %dma_start3A_8 = tpu.memref_slice %arg3[%mul3A_2] : memref<2048xi32, #tpu.memory_space<hbm>> -> memref<64xi32, #tpu.memory_space<hbm>>
      tpu.enqueue_dma source(%dma_start3A_8 : memref<64xi32, #tpu.memory_space<hbm>>) target(%arg5 : memref<64xi32, #tpu.memory_space<vmem>>) target_semaphore(%run_scoped3A : memref<!tpu.dma_semaphore, #tpu.memory_space<semaphore_mem>>)
      %dma_wait3A_9 = tpu.memref_slice %arg3[%mul3A_2] : memref<2048xi32, #tpu.memory_space<hbm>> -> memref<64xi32, #tpu.memory_space<hbm>>
      %dma_wait3A_10 = tpu.memref_slice %arg3[%mul3A_2] : memref<2048xi32, #tpu.memory_space<hbm>> -> memref<64xi32, #tpu.memory_space<hbm>>
      tpu.wait_dma2 semaphore(%run_scoped3A : memref<!tpu.dma_semaphore, #tpu.memory_space<semaphore_mem>>) src(%dma_wait3A_10 : memref<64xi32, #tpu.memory_space<hbm>>) dst(%arg5 : memref<64xi32, #tpu.memory_space<vmem>>)
      tpu.yield
    }) : () -> ()
    %dma_start3A = arith.constant 0 : i32
    %dma_start3A_3 = arith.constant 0 : i32
    %dma_start3A_4 = tpu.memref_slice %arg2[%dma_start3A, %dma_start3A_3] : memref<4096x128xf32, #tpu.memory_space<hbm>> -> memref<4096x128xf32, #tpu.memory_space<hbm>>
    tpu.enqueue_indirect_dma source(%dma_start3A_4 : memref<4096x128xf32, #tpu.memory_space<hbm>>) target(%arg6 : memref<64x128xf32, #tpu.memory_space<vmem>>) offsets(%arg5 : memref<64xi32, #tpu.memory_space<vmem>>) semaphore(%arg7 : memref<!tpu.dma_semaphore, #tpu.memory_space<semaphore_mem>>)
    %dma_wait3A = arith.constant 0 : i32
    %dma_wait3A_5 = arith.constant 0 : i32
    %dma_wait3A_6 = tpu.memref_slice %arg2[%dma_wait3A, %dma_wait3A_5] : memref<4096x128xf32, #tpu.memory_space<hbm>> -> memref<4096x128xf32, #tpu.memory_space<hbm>>
    tpu.wait_indirect_dma semaphore(%arg7 : memref<!tpu.dma_semaphore, #tpu.memory_space<semaphore_mem>>) src(%dma_wait3A_6 : memref<4096x128xf32, #tpu.memory_space<hbm>>) dst(%arg6 : memref<64x128xf32, #tpu.memory_space<vmem>>)
    "tpu.region"() ({
      %run_scoped3A = tpu.sem_alloc : memref<!tpu.dma_semaphore, #tpu.memory_space<semaphore_mem>>
      %dma_start3A_7 = arith.constant 0 : i32
      %dma_start3A_8 = tpu.memref_slice %arg4[%mul3A_2, %dma_start3A_7] : memref<2048x128xf32, #tpu.memory_space<hbm>> -> memref<64x128xf32, #tpu.memory_space<hbm>>
      %dma_start3A_9 = arith.constant 0 : i32
      %dma_start3A_10 = tpu.memref_slice %arg4[%mul3A_2, %dma_start3A_9] : memref<2048x128xf32, #tpu.memory_space<hbm>> -> memref<64x128xf32, #tpu.memory_space<hbm>>
      tpu.enqueue_dma source(%arg6 : memref<64x128xf32, #tpu.memory_space<vmem>>) target(%dma_start3A_10 : memref<64x128xf32, #tpu.memory_space<hbm>>) target_semaphore(%run_scoped3A : memref<!tpu.dma_semaphore, #tpu.memory_space<semaphore_mem>>)
      %dma_wait3A_11 = arith.constant 0 : i32
      %dma_wait3A_12 = tpu.memref_slice %arg4[%mul3A_2, %dma_wait3A_11] : memref<2048x128xf32, #tpu.memory_space<hbm>> -> memref<64x128xf32, #tpu.memory_space<hbm>>
      %dma_wait3A_13 = arith.constant 0 : i32
      %dma_wait3A_14 = tpu.memref_slice %arg4[%mul3A_2, %dma_wait3A_13] : memref<2048x128xf32, #tpu.memory_space<hbm>> -> memref<64x128xf32, #tpu.memory_space<hbm>>
      tpu.wait_dma2 semaphore(%run_scoped3A : memref<!tpu.dma_semaphore, #tpu.memory_space<semaphore_mem>>) src(%arg6 : memref<64x128xf32, #tpu.memory_space<vmem>>) dst(%dma_wait3A_14 : memref<64x128xf32, #tpu.memory_space<hbm>>)
      tpu.yield
    }) : () -> ()
    return
  }
}

module attributes {stable_mosaic.version = 14 : i64} {
  func.func @_tc_body(%arg0: i32, %arg1: memref<12xi32, #tpu.memory_space<smem>>, %arg2: memref<12xi32, #tpu.memory_space<smem>>, %arg3: memref<1024x1024xf32, #tpu.memory_space<vmem>>, %arg4: memref<4096x128xf32, #tpu.memory_space<vmem>>, %arg5: memref<8x128xi32, #tpu.memory_space<vmem>>, %arg6: memref<4096x4096xf32, #tpu.memory_space<any>>, %arg7: memref<4096x128xf32, #tpu.memory_space<vmem>>, %arg8: memref<8x256xi32, #tpu.memory_space<vmem>>, %arg9: memref<3x1024x1024xf32, #tpu.memory_space<vmem>>, %arg10: memref<3x!tpu.dma_semaphore, #tpu.memory_space<semaphore_mem>>) attributes {dimension_semantics = [#tpu.dimension_semantics<arbitrary>], iteration_bounds = array<i64: 10>, scalar_prefetch = 2 : i64, scratch_operands = 2 : i64, tpu.core_type = #tpu.core_type<tc>, window_params = [{transform_indices = @transform_0, window_bounds = array<i64: 1024, 1024>}, {pipeline_mode = #tpu.pipeline_mode<synchronous>, transform_indices = @transform_1, window_bounds = array<i64: 4096, 128>}, {pipeline_mode = #tpu.pipeline_mode<synchronous>, transform_indices = @transform_2, window_bounds = array<i64: 8, 128>}, {}, {pipeline_mode = #tpu.pipeline_mode<synchronous>, transform_indices = @transform_4, window_bounds = array<i64: 4096, 128>}, {pipeline_mode = #tpu.pipeline_mode<synchronous>, transform_indices = @transform_5, window_bounds = array<i64: 8, 256>}]} {
    %get3A = arith.index_cast %arg0 : i32 to index
    %get3A_0 = memref.load %arg1[%get3A] : memref<12xi32, #tpu.memory_space<smem>>
    %get3A_1 = arith.index_cast %arg0 : i32 to index
    %get3A_2 = memref.load %arg2[%get3A_1] : memref<12xi32, #tpu.memory_space<smem>>
    %eq3A = arith.constant 0 : i32
    %eq3A_3 = arith.cmpi eq, %arg0, %eq3A : i32
    %convert_element_type3A = arith.extui %eq3A_3 : i1 to i32
    %cond3A = arith.constant 0 : i32
    %cond3A_4 = arith.cmpi ne, %convert_element_type3A, %cond3A : i32
    scf.if %cond3A_4 {
      %get3A_34 = arith.constant 0 : index
      %get3A_35 = arith.constant 0 : index
      %get3A_36 = vector.load %arg4[%get3A_34, %get3A_35] : memref<4096x128xf32, #tpu.memory_space<vmem>>, vector<4096x128xf32>
      %swap3A = arith.constant 0 : index
      %swap3A_37 = arith.constant 0 : index
      %swap3A_38 = vector.load %arg7[%swap3A, %swap3A_37] : memref<4096x128xf32, #tpu.memory_space<vmem>>, vector<4096x128xf32>
      tpu.vector_store %arg7[%swap3A, %swap3A_37], %get3A_36 {strides = array<i32>} : memref<4096x128xf32, #tpu.memory_space<vmem>>, vector<4096x128xf32>,
      %get3A_39 = arith.constant 0 : index
      %get3A_40 = arith.constant 0 : index
      %get3A_41 = vector.load %arg5[%get3A_39, %get3A_40] : memref<8x128xi32, #tpu.memory_space<vmem>>, vector<8x128xi32>
      %convert_element_type3A_42 = arith.sitofp %get3A_41 : vector<8x128xi32> to vector<8x128xf32>
      %mul3A = arith.constant 8.191000e+03 : f32
      %mul3A_43 = arith.constant 8.191000e+03 : f32
      %mul3A_44 = arith.mulf %mul3A, %mul3A_43 : f32
      %mul3A_45 = arith.constant 8.000000e+00 : f32
      %mul3A_46 = vector.broadcast %mul3A_45 : f32 to vector<8x128xf32>
      %mul3A_47 = arith.mulf %mul3A_46, %convert_element_type3A_42 : vector<8x128xf32>
      %sub3A = vector.broadcast %mul3A_44 : f32 to vector<8x128xf32>
      %sub3A_48 = arith.subf %sub3A, %mul3A_47 : vector<8x128xf32>
      %sqrt3A = math.sqrt %sub3A_48 : vector<8x128xf32>
      %sub3A_49 = arith.constant 8.191000e+03 : f32
      %sub3A_50 = vector.broadcast %sub3A_49 : f32 to vector<8x128xf32>
      %sub3A_51 = arith.subf %sub3A_50, %sqrt3A : vector<8x128xf32>
      %div3A = arith.constant 2.000000e+00 : f32
      %div3A_52 = vector.broadcast %div3A : f32 to vector<8x128xf32>
      %div3A_53 = arith.divf %sub3A_51, %div3A_52 : vector<8x128xf32>
      %floor3A = math.floor %div3A_53 : vector<8x128xf32>
      %convert_element_type3A_54 = arith.fptosi %floor3A : vector<8x128xf32> to vector<8x128xi32>
      %mul3A_55 = arith.constant 4096 : i32
      %mul3A_56 = vector.broadcast %mul3A_55 : i32 to vector<8x128xi32>
      %mul3A_57 = arith.muli %convert_element_type3A_54, %mul3A_56 : vector<8x128xi32>
      %add3A_58 = arith.constant 1 : i32
      %add3A_59 = vector.broadcast %add3A_58 : i32 to vector<8x128xi32>
      %add3A_60 = arith.addi %convert_element_type3A_54, %add3A_59 : vector<8x128xi32>
      %mul3A_61 = arith.muli %convert_element_type3A_54, %add3A_60 : vector<8x128xi32>
      %shift_right_arithmetic3A = arith.constant 1 : i32
      %shift_right_arithmetic3A_62 = vector.broadcast %shift_right_arithmetic3A : i32 to vector<8x128xi32>
      %shift_right_arithmetic3A_63 = arith.shrsi %mul3A_61, %shift_right_arithmetic3A_62 : vector<8x128xi32>
      %sub3A_64 = arith.subi %mul3A_57, %shift_right_arithmetic3A_63 : vector<8x128xi32>
      %add3A_65 = arith.constant 1 : i32
      %add3A_66 = vector.broadcast %add3A_65 : i32 to vector<8x128xi32>
      %add3A_67 = arith.addi %convert_element_type3A_54, %add3A_66 : vector<8x128xi32>
      %sub3A_68 = arith.subi %get3A_41, %sub3A_64 : vector<8x128xi32>
      %add3A_69 = arith.addi %add3A_67, %sub3A_68 : vector<8x128xi32>
      %stack3A = vector.shape_cast %convert_element_type3A_54 : vector<8x128xi32> to vector<8x128x1xi32>
      %stack3A_70 = vector.shape_cast %add3A_69 : vector<8x128xi32> to vector<8x128x1xi32>
      %stack3A_71 = tpu.concatenate %stack3A, %stack3A_70 in 2 : vector<8x128x1xi32>, vector<8x128x1xi32> -> vector<8x128x2xi32>
      %reshape3A = vector.shape_cast %stack3A_71 : vector<8x128x2xi32> to vector<8x256xi32>
      %lt3A_72 = arith.constant 0 : i32
      %lt3A_73 = vector.broadcast %lt3A_72 : i32 to vector<8x256xi32>
      %lt3A_74 = arith.cmpi slt, %reshape3A, %lt3A_73 : vector<8x256xi32>
      %add3A_75 = arith.constant 4096 : i32
      %add3A_76 = vector.broadcast %add3A_75 : i32 to vector<8x256xi32>
      %add3A_77 = arith.addi %reshape3A, %add3A_76 : vector<8x256xi32>
      %select_n3A = arith.select %lt3A_74, %add3A_77, %reshape3A : vector<8x256xi1>, vector<8x256xi32>
      %jit3A = arith.constant 0 : i32
      %jit3A_78 = arith.constant 4095 : i32
      %max3A = vector.broadcast %jit3A : i32 to vector<8x256xi32>
      %max3A_79 = arith.maxsi %max3A, %select_n3A : vector<8x256xi32>
      %min3A = vector.broadcast %jit3A_78 : i32 to vector<8x256xi32>
      %min3A_80 = arith.minsi %min3A, %max3A_79 : vector<8x256xi32>
      %swap3A_81 = arith.constant 0 : index
      %swap3A_82 = arith.constant 0 : index
      %swap3A_83 = vector.load %arg8[%swap3A_81, %swap3A_82] : memref<8x256xi32, #tpu.memory_space<vmem>>, vector<8x256xi32>
      tpu.vector_store %arg8[%swap3A_81, %swap3A_82], %min3A_80 {strides = array<i32>} : memref<8x256xi32, #tpu.memory_space<vmem>>, vector<8x256xi32>,
      %get3A_84 = arith.constant 1 : index
      %get3A_85 = memref.load %arg1[%get3A_84] : memref<12xi32, #tpu.memory_space<smem>>
      %get3A_86 = arith.constant 1 : index
      %get3A_87 = memref.load %arg2[%get3A_86] : memref<12xi32, #tpu.memory_space<smem>>
      %ne3A_88 = arith.cmpi ne, %get3A_85, %get3A_87 : i32
      %and3A_89 = arith.constant true
      %and3A_90 = arith.andi %and3A_89, %ne3A_88 : i1
      %convert_element_type3A_91 = arith.extui %and3A_90 : i1 to i32
      %cond3A_92 = arith.constant 0 : i32
      %cond3A_93 = arith.cmpi ne, %convert_element_type3A_91, %cond3A_92 : i32
      scf.if %cond3A_93 {
        %mul3A_94 = arith.constant 1024 : i32
        %mul3A_95 = arith.muli %get3A_87, %mul3A_94 : i32
        %mul3A_96 = arith.constant 1024 : i32
        %mul3A_97 = arith.muli %get3A_85, %mul3A_96 : i32
        %dma_start3A = arith.constant 1 : i32
        %dma_start3A_98 = arith.constant 1 : i32
        %dma_start3A_99 = tpu.memref_slice %arg10[%dma_start3A_98] : memref<3x!tpu.dma_semaphore, #tpu.memory_space<semaphore_mem>> -> memref<1x!tpu.dma_semaphore, #tpu.memory_space<semaphore_mem>>
        %dma_start3A_100 = tpu.memref_squeeze %dma_start3A_99 : memref<1x!tpu.dma_semaphore, #tpu.memory_space<semaphore_mem>> -> memref<!tpu.dma_semaphore, #tpu.memory_space<semaphore_mem>>
        %dma_start3A_101 = arith.constant 0 : i32
        %dma_start3A_102 = arith.constant 0 : i32
        %dma_start3A_103 = tpu.memref_slice %arg9[%dma_start3A, %dma_start3A_101, %dma_start3A_102] : memref<3x1024x1024xf32, #tpu.memory_space<vmem>> -> memref<1x1024x1024xf32, #tpu.memory_space<vmem>>
        %dma_start3A_104 = tpu.memref_squeeze %dma_start3A_103 : memref<1x1024x1024xf32, #tpu.memory_space<vmem>> -> memref<1024x1024xf32, #tpu.memory_space<vmem>>
        %dma_start3A_105 = tpu.memref_slice %arg6[%mul3A_95, %mul3A_97] : memref<4096x4096xf32, #tpu.memory_space<any>> -> memref<1024x1024xf32, #tpu.memory_space<any>>
        tpu.enqueue_dma source(%dma_start3A_105 : memref<1024x1024xf32, #tpu.memory_space<any>>) target(%dma_start3A_104 : memref<1024x1024xf32, #tpu.memory_space<vmem>>) target_semaphore(%dma_start3A_100 : memref<!tpu.dma_semaphore, #tpu.memory_space<semaphore_mem>>)
      } else {
      }
    } else {
    }
    %add3A = arith.constant 2 : i32
    %add3A_5 = arith.addi %arg0, %add3A : i32
    %get3A_6 = arith.index_cast %add3A_5 : i32 to index
    %get3A_7 = memref.load %arg1[%get3A_6] : memref<12xi32, #tpu.memory_space<smem>>
    %add3A_8 = arith.constant 2 : i32
    %add3A_9 = arith.addi %arg0, %add3A_8 : i32
    %get3A_10 = arith.index_cast %add3A_9 : i32 to index
    %get3A_11 = memref.load %arg2[%get3A_10] : memref<12xi32, #tpu.memory_space<smem>>
    %add3A_12 = arith.constant 2 : i32
    %add3A_13 = arith.addi %arg0, %add3A_12 : i32
    %lt3A = arith.constant 10 : i32
    %lt3A_14 = arith.cmpi slt, %add3A_13, %lt3A : i32
    %ne3A = arith.cmpi ne, %get3A_7, %get3A_11 : i32
    %and3A = arith.andi %lt3A_14, %ne3A : i1
    %convert_element_type3A_15 = arith.extui %and3A : i1 to i32
    %cond3A_16 = arith.constant 0 : i32
    %cond3A_17 = arith.cmpi ne, %convert_element_type3A_15, %cond3A_16 : i32
    scf.if %cond3A_17 {
      %mul3A = arith.constant 1024 : i32
      %mul3A_34 = arith.muli %get3A_11, %mul3A : i32
      %mul3A_35 = arith.constant 1024 : i32
      %mul3A_36 = arith.muli %get3A_7, %mul3A_35 : i32
      %add3A_37 = arith.constant 2 : i32
      %add3A_38 = arith.addi %arg0, %add3A_37 : i32
      %jit3A = arith.constant 3 : i32
      %eq3A_39 = arith.constant 0 : i32
      %eq3A_40 = arith.cmpi eq, %jit3A, %eq3A_39 : i32
      %jit3A_41 = arith.constant 1 : i32
      %select_n3A = arith.select %eq3A_40, %jit3A_41, %jit3A : i32
      %rem3A = arith.remsi %add3A_38, %select_n3A : i32
      %ne3A_42 = arith.constant 0 : i32
      %ne3A_43 = arith.cmpi ne, %rem3A, %ne3A_42 : i32
      %lt3A_44 = arith.constant 0 : i32
      %lt3A_45 = arith.cmpi slt, %rem3A, %lt3A_44 : i32
      %lt3A_46 = arith.constant 0 : i32
      %lt3A_47 = arith.cmpi slt, %select_n3A, %lt3A_46 : i32
      %ne3A_48 = arith.xori %lt3A_45, %lt3A_47 : i1
      %and3A_49 = arith.andi %ne3A_48, %ne3A_43 : i1
      %add3A_50 = arith.addi %rem3A, %select_n3A : i32
      %select_n3A_51 = arith.select %and3A_49, %add3A_50, %rem3A : i32
      %add3A_52 = arith.constant 2 : i32
      %add3A_53 = arith.addi %arg0, %add3A_52 : i32
      %jit3A_54 = arith.constant 3 : i32
      %eq3A_55 = arith.constant 0 : i32
      %eq3A_56 = arith.cmpi eq, %jit3A_54, %eq3A_55 : i32
      %jit3A_57 = arith.constant 1 : i32
      %select_n3A_58 = arith.select %eq3A_56, %jit3A_57, %jit3A_54 : i32
      %rem3A_59 = arith.remsi %add3A_53, %select_n3A_58 : i32
      %ne3A_60 = arith.constant 0 : i32
      %ne3A_61 = arith.cmpi ne, %rem3A_59, %ne3A_60 : i32
      %lt3A_62 = arith.constant 0 : i32
      %lt3A_63 = arith.cmpi slt, %rem3A_59, %lt3A_62 : i32
      %lt3A_64 = arith.constant 0 : i32
      %lt3A_65 = arith.cmpi slt, %select_n3A_58, %lt3A_64 : i32
      %ne3A_66 = arith.xori %lt3A_63, %lt3A_65 : i1
      %and3A_67 = arith.andi %ne3A_66, %ne3A_61 : i1
      %add3A_68 = arith.addi %rem3A_59, %select_n3A_58 : i32
      %select_n3A_69 = arith.select %and3A_67, %add3A_68, %rem3A_59 : i32
      %dma_start3A = tpu.memref_slice %arg10[%select_n3A_69] : memref<3x!tpu.dma_semaphore, #tpu.memory_space<semaphore_mem>> -> memref<1x!tpu.dma_semaphore, #tpu.memory_space<semaphore_mem>>
      %dma_start3A_70 = tpu.memref_squeeze %dma_start3A : memref<1x!tpu.dma_semaphore, #tpu.memory_space<semaphore_mem>> -> memref<!tpu.dma_semaphore, #tpu.memory_space<semaphore_mem>>
      %dma_start3A_71 = arith.constant 0 : i32
      %dma_start3A_72 = arith.constant 0 : i32
      %dma_start3A_73 = tpu.memref_slice %arg9[%select_n3A_51, %dma_start3A_71, %dma_start3A_72] : memref<3x1024x1024xf32, #tpu.memory_space<vmem>> -> memref<1x1024x1024xf32, #tpu.memory_space<vmem>>
      %dma_start3A_74 = tpu.memref_squeeze %dma_start3A_73 : memref<1x1024x1024xf32, #tpu.memory_space<vmem>> -> memref<1024x1024xf32, #tpu.memory_space<vmem>>
      %dma_start3A_75 = tpu.memref_slice %arg6[%mul3A_34, %mul3A_36] : memref<4096x4096xf32, #tpu.memory_space<any>> -> memref<1024x1024xf32, #tpu.memory_space<any>>
      tpu.enqueue_dma source(%dma_start3A_75 : memref<1024x1024xf32, #tpu.memory_space<any>>) target(%dma_start3A_74 : memref<1024x1024xf32, #tpu.memory_space<vmem>>) target_semaphore(%dma_start3A_70 : memref<!tpu.dma_semaphore, #tpu.memory_space<semaphore_mem>>)
    } else {
    }
    %get3A_18 = arith.constant 0 : index
    %get3A_19 = arith.constant 0 : index
    %get3A_20 = vector.load %arg3[%get3A_18, %get3A_19] : memref<1024x1024xf32, #tpu.memory_space<vmem>>, vector<1024x1024xf32>
    %gt3A = arith.constant 0.000000e+00 : f32
    %gt3A_21 = vector.broadcast %gt3A : f32 to vector<1024x1024xf32>
    %gt3A_22 = arith.cmpf ogt, %get3A_20, %gt3A_21 : vector<1024x1024xf32>
    %convert_element_type3A_23 = arith.extui %gt3A_22 : vector<1024x1024xi1> to vector<1024x1024xi32>
    %convert_element_type3A_24 = arith.sitofp %convert_element_type3A_23 : vector<1024x1024xi32> to vector<1024x1024xf32>
    %convert_element_type3A_25 = arith.truncf %convert_element_type3A_24 : vector<1024x1024xf32> to vector<1024x1024xbf16>
    %eq3A_26 = arith.cmpi eq, %get3A_0, %get3A_2 : i32
    %convert_element_type3A_27 = arith.extui %eq3A_26 : i1 to i32
    %cond3A_28 = arith.constant 0 : i32
    %cond3A_29 = arith.cmpi ne, %convert_element_type3A_27, %cond3A_28 : i32
    scf.if %cond3A_29 {
      %get3A_34 = arith.constant 0 : index
      %get3A_35 = arith.constant 0 : index
      %get3A_36 = vector.load %arg3[%get3A_34, %get3A_35] : memref<1024x1024xf32, #tpu.memory_space<vmem>>, vector<1024x1024xf32>
      %gt3A_37 = arith.constant 0.000000e+00 : f32
      %gt3A_38 = vector.broadcast %gt3A_37 : f32 to vector<1024x1024xf32>
      %gt3A_39 = arith.cmpf ogt, %get3A_36, %gt3A_38 : vector<1024x1024xf32>
      %convert_element_type3A_40 = arith.extui %gt3A_39 : vector<1024x1024xi1> to vector<1024x1024xi32>
      %convert_element_type3A_41 = arith.sitofp %convert_element_type3A_40 : vector<1024x1024xi32> to vector<1024x1024xf32>
      %convert_element_type3A_42 = arith.truncf %convert_element_type3A_41 : vector<1024x1024xf32> to vector<1024x1024xbf16>
      %transpose3A = tpu.transpose %convert_element_type3A_42, [1, 0] : vector<1024x1024xbf16> -> vector<1024x1024xbf16>
      %max3A = arith.maximumf %convert_element_type3A_25, %transpose3A : vector<1024x1024xbf16>
      %iota3A = tpu.iota {dimensions = array<i32: 0>} : vector<1024x1024xi32>
      %iota3A_43 = tpu.iota {dimensions = array<i32: 1>} : vector<1024x1024xi32>
      %eq3A_44 = arith.cmpi eq, %iota3A, %iota3A_43 : vector<1024x1024xi32>
      %jit3A = arith.constant 0.000000e+00 : bf16
      %broadcast_in_dim3A = vector.broadcast %jit3A : bf16 to vector<1024x1024xbf16>
      %select_n3A = arith.select %eq3A_44, %broadcast_in_dim3A, %max3A : vector<1024x1024xi1>, vector<1024x1024xbf16>
      %mul3A = arith.constant 1024 : i32
      %mul3A_45 = arith.muli %get3A_2, %mul3A : i32
      %get3A_46 = arith.index_cast %mul3A_45 : i32 to index
      %get3A_47 = arith.constant 0 : index
      %get3A_48 = vector.load %arg4[%get3A_46, %get3A_47] : memref<4096x128xf32, #tpu.memory_space<vmem>>, vector<1024x128xf32>
      %convert_element_type3A_49 = arith.truncf %get3A_48 : vector<1024x128xf32> to vector<1024x128xbf16>
      %mul3A_50 = arith.constant 1024 : i32
      %mul3A_51 = arith.muli %get3A_0, %mul3A_50 : i32
      %get3A_52 = arith.index_cast %mul3A_51 : i32 to index
      %get3A_53 = arith.constant 0 : index
      %get3A_54 = vector.load %arg7[%get3A_52, %get3A_53] : memref<4096x128xf32, #tpu.memory_space<vmem>>, vector<1024x128xf32>
      %dot_general3A = arith.constant dense<0.000000e+00> : vector<1024x128xf32>
      %dot_general3A_55 = tpu.matmul %select_n3A, %convert_element_type3A_49, %dot_general3A {dimension_numbers = #tpu.dot_dimension_numbers<[1], [0], [0], [1], [0, 0, 1, 1], [], []>, transpose_lhs_hint = false} : vector<1024x1024xbf16>, vector<1024x128xbf16>, vector<1024x128xf32> -> vector<1024x128xf32>
      %add3A_56 = arith.addf %get3A_54, %dot_general3A_55 : vector<1024x128xf32>
      %swap3A = arith.index_cast %mul3A_51 : i32 to index
      %swap3A_57 = arith.constant 0 : index
      %swap3A_58 = vector.load %arg7[%swap3A, %swap3A_57] : memref<4096x128xf32, #tpu.memory_space<vmem>>, vector<1024x128xf32>
      tpu.vector_store %arg7[%swap3A, %swap3A_57], %add3A_56 {strides = array<i32>} : memref<4096x128xf32, #tpu.memory_space<vmem>>, vector<1024x128xf32>,
    } else {
    }
    %ne3A_30 = arith.cmpi ne, %get3A_0, %get3A_2 : i32
    %convert_element_type3A_31 = arith.extui %ne3A_30 : i1 to i32
    %cond3A_32 = arith.constant 0 : i32
    %cond3A_33 = arith.cmpi ne, %convert_element_type3A_31, %cond3A_32 : i32
    scf.if %cond3A_33 {
      %mul3A = arith.constant 1024 : i32
      %mul3A_34 = arith.muli %get3A_2, %mul3A : i32
      %mul3A_35 = arith.constant 1024 : i32
      %mul3A_36 = arith.muli %get3A_0, %mul3A_35 : i32
      %jit3A = arith.constant 3 : i32
      %eq3A_37 = arith.constant 0 : i32
      %eq3A_38 = arith.cmpi eq, %jit3A, %eq3A_37 : i32
      %jit3A_39 = arith.constant 1 : i32
      %select_n3A = arith.select %eq3A_38, %jit3A_39, %jit3A : i32
      %rem3A = arith.remsi %arg0, %select_n3A : i32
      %ne3A_40 = arith.constant 0 : i32
      %ne3A_41 = arith.cmpi ne, %rem3A, %ne3A_40 : i32
      %lt3A_42 = arith.constant 0 : i32
      %lt3A_43 = arith.cmpi slt, %rem3A, %lt3A_42 : i32
      %lt3A_44 = arith.constant 0 : i32
      %lt3A_45 = arith.cmpi slt, %select_n3A, %lt3A_44 : i32
      %ne3A_46 = arith.xori %lt3A_43, %lt3A_45 : i1
      %and3A_47 = arith.andi %ne3A_46, %ne3A_41 : i1
      %add3A_48 = arith.addi %rem3A, %select_n3A : i32
      %select_n3A_49 = arith.select %and3A_47, %add3A_48, %rem3A : i32
      %jit3A_50 = arith.constant 3 : i32
      %eq3A_51 = arith.constant 0 : i32
      %eq3A_52 = arith.cmpi eq, %jit3A_50, %eq3A_51 : i32
      %jit3A_53 = arith.constant 1 : i32
      %select_n3A_54 = arith.select %eq3A_52, %jit3A_53, %jit3A_50 : i32
      %rem3A_55 = arith.remsi %arg0, %select_n3A_54 : i32
      %ne3A_56 = arith.constant 0 : i32
      %ne3A_57 = arith.cmpi ne, %rem3A_55, %ne3A_56 : i32
      %lt3A_58 = arith.constant 0 : i32
      %lt3A_59 = arith.cmpi slt, %rem3A_55, %lt3A_58 : i32
      %lt3A_60 = arith.constant 0 : i32
      %lt3A_61 = arith.cmpi slt, %select_n3A_54, %lt3A_60 : i32
      %ne3A_62 = arith.xori %lt3A_59, %lt3A_61 : i1
      %and3A_63 = arith.andi %ne3A_62, %ne3A_57 : i1
      %add3A_64 = arith.addi %rem3A_55, %select_n3A_54 : i32
      %select_n3A_65 = arith.select %and3A_63, %add3A_64, %rem3A_55 : i32
      %dma_wait3A = tpu.memref_slice %arg10[%select_n3A_65] : memref<3x!tpu.dma_semaphore, #tpu.memory_space<semaphore_mem>> -> memref<1x!tpu.dma_semaphore, #tpu.memory_space<semaphore_mem>>
      %dma_wait3A_66 = tpu.memref_squeeze %dma_wait3A : memref<1x!tpu.dma_semaphore, #tpu.memory_space<semaphore_mem>> -> memref<!tpu.dma_semaphore, #tpu.memory_space<semaphore_mem>>
      %dma_wait3A_67 = arith.constant 0 : i32
      %dma_wait3A_68 = arith.constant 0 : i32
      %dma_wait3A_69 = tpu.memref_slice %arg9[%select_n3A_49, %dma_wait3A_67, %dma_wait3A_68] : memref<3x1024x1024xf32, #tpu.memory_space<vmem>> -> memref<1x1024x1024xf32, #tpu.memory_space<vmem>>
      %dma_wait3A_70 = tpu.memref_squeeze %dma_wait3A_69 : memref<1x1024x1024xf32, #tpu.memory_space<vmem>> -> memref<1024x1024xf32, #tpu.memory_space<vmem>>
      %dma_wait3A_71 = tpu.memref_slice %arg6[%mul3A_34, %mul3A_36] : memref<4096x4096xf32, #tpu.memory_space<any>> -> memref<1024x1024xf32, #tpu.memory_space<any>>
      tpu.wait_dma2 semaphore(%dma_wait3A_66 : memref<!tpu.dma_semaphore, #tpu.memory_space<semaphore_mem>>) src(%dma_wait3A_71 : memref<1024x1024xf32, #tpu.memory_space<any>>) dst(%dma_wait3A_70 : memref<1024x1024xf32, #tpu.memory_space<vmem>>)
      %jit3A_72 = arith.constant 3 : i32
      %eq3A_73 = arith.constant 0 : i32
      %eq3A_74 = arith.cmpi eq, %jit3A_72, %eq3A_73 : i32
      %jit3A_75 = arith.constant 1 : i32
      %select_n3A_76 = arith.select %eq3A_74, %jit3A_75, %jit3A_72 : i32
      %rem3A_77 = arith.remsi %arg0, %select_n3A_76 : i32
      %ne3A_78 = arith.constant 0 : i32
      %ne3A_79 = arith.cmpi ne, %rem3A_77, %ne3A_78 : i32
      %lt3A_80 = arith.constant 0 : i32
      %lt3A_81 = arith.cmpi slt, %rem3A_77, %lt3A_80 : i32
      %lt3A_82 = arith.constant 0 : i32
      %lt3A_83 = arith.cmpi slt, %select_n3A_76, %lt3A_82 : i32
      %ne3A_84 = arith.xori %lt3A_81, %lt3A_83 : i1
      %and3A_85 = arith.andi %ne3A_84, %ne3A_79 : i1
      %add3A_86 = arith.addi %rem3A_77, %select_n3A_76 : i32
      %select_n3A_87 = arith.select %and3A_85, %add3A_86, %rem3A_77 : i32
      %get3A_88 = arith.index_cast %select_n3A_87 : i32 to index
      %get3A_89 = arith.constant 0 : index
      %get3A_90 = arith.constant 0 : index
      %get3A_91 = vector.load %arg9[%get3A_88, %get3A_89, %get3A_90] : memref<3x1024x1024xf32, #tpu.memory_space<vmem>>, vector<1x1024x1024xf32>
      %get3A_92 = vector.shape_cast %get3A_91 : vector<1x1024x1024xf32> to vector<1024x1024xf32>
      %gt3A_93 = arith.constant 0.000000e+00 : f32
      %gt3A_94 = vector.broadcast %gt3A_93 : f32 to vector<1024x1024xf32>
      %gt3A_95 = arith.cmpf ogt, %get3A_92, %gt3A_94 : vector<1024x1024xf32>
      %convert_element_type3A_96 = arith.extui %gt3A_95 : vector<1024x1024xi1> to vector<1024x1024xi32>
      %convert_element_type3A_97 = arith.sitofp %convert_element_type3A_96 : vector<1024x1024xi32> to vector<1024x1024xf32>
      %convert_element_type3A_98 = arith.truncf %convert_element_type3A_97 : vector<1024x1024xf32> to vector<1024x1024xbf16>
      %transpose3A = tpu.transpose %convert_element_type3A_98, [1, 0] : vector<1024x1024xbf16> -> vector<1024x1024xbf16>
      %max3A = arith.maximumf %convert_element_type3A_25, %transpose3A : vector<1024x1024xbf16>
      %mul3A_99 = arith.constant 1024 : i32
      %mul3A_100 = arith.muli %get3A_2, %mul3A_99 : i32
      %get3A_101 = arith.index_cast %mul3A_100 : i32 to index
      %get3A_102 = arith.constant 0 : index
      %get3A_103 = vector.load %arg4[%get3A_101, %get3A_102] : memref<4096x128xf32, #tpu.memory_space<vmem>>, vector<1024x128xf32>
      %convert_element_type3A_104 = arith.truncf %get3A_103 : vector<1024x128xf32> to vector<1024x128xbf16>
      %mul3A_105 = arith.constant 1024 : i32
      %mul3A_106 = arith.muli %get3A_0, %mul3A_105 : i32
      %get3A_107 = arith.index_cast %mul3A_106 : i32 to index
      %get3A_108 = arith.constant 0 : index
      %get3A_109 = vector.load %arg7[%get3A_107, %get3A_108] : memref<4096x128xf32, #tpu.memory_space<vmem>>, vector<1024x128xf32>
      %dot_general3A = arith.constant dense<0.000000e+00> : vector<1024x128xf32>
      %dot_general3A_110 = tpu.matmul %max3A, %convert_element_type3A_104, %dot_general3A {dimension_numbers = #tpu.dot_dimension_numbers<[1], [0], [0], [1], [0, 0, 1, 1], [], []>, transpose_lhs_hint = false} : vector<1024x1024xbf16>, vector<1024x128xbf16>, vector<1024x128xf32> -> vector<1024x128xf32>
      %add3A_111 = arith.addf %get3A_109, %dot_general3A_110 : vector<1024x128xf32>
      %swap3A = arith.index_cast %mul3A_106 : i32 to index
      %swap3A_112 = arith.constant 0 : index
      %swap3A_113 = vector.load %arg7[%swap3A, %swap3A_112] : memref<4096x128xf32, #tpu.memory_space<vmem>>, vector<1024x128xf32>
      tpu.vector_store %arg7[%swap3A, %swap3A_112], %add3A_111 {strides = array<i32>} : memref<4096x128xf32, #tpu.memory_space<vmem>>, vector<1024x128xf32>,
      %mul3A_114 = arith.constant 1024 : i32
      %mul3A_115 = arith.muli %get3A_0, %mul3A_114 : i32
      %get3A_116 = arith.index_cast %mul3A_115 : i32 to index
      %get3A_117 = arith.constant 0 : index
      %get3A_118 = vector.load %arg4[%get3A_116, %get3A_117] : memref<4096x128xf32, #tpu.memory_space<vmem>>, vector<1024x128xf32>
      %convert_element_type3A_119 = arith.truncf %get3A_118 : vector<1024x128xf32> to vector<1024x128xbf16>
      %dot_general3A_120 = arith.constant dense<0.000000e+00> : vector<1024x128xf32>
      %dot_general3A_121 = tpu.matmul %max3A, %convert_element_type3A_119, %dot_general3A_120 {dimension_numbers = #tpu.dot_dimension_numbers<[0], [0], [1], [1], [0, 1, 1, 1], [], []>, transpose_lhs_hint = false} : vector<1024x1024xbf16>, vector<1024x128xbf16>, vector<1024x128xf32> -> vector<1024x128xf32>
      %mul3A_122 = arith.constant 1024 : i32
      %mul3A_123 = arith.muli %get3A_2, %mul3A_122 : i32
      %get3A_124 = arith.index_cast %mul3A_123 : i32 to index
      %get3A_125 = arith.constant 0 : index
      %get3A_126 = vector.load %arg7[%get3A_124, %get3A_125] : memref<4096x128xf32, #tpu.memory_space<vmem>>, vector<1024x128xf32>
      %add3A_127 = arith.addf %get3A_126, %dot_general3A_121 : vector<1024x128xf32>
      %swap3A_128 = arith.index_cast %mul3A_123 : i32 to index
      %swap3A_129 = arith.constant 0 : index
      %swap3A_130 = vector.load %arg7[%swap3A_128, %swap3A_129] : memref<4096x128xf32, #tpu.memory_space<vmem>>, vector<1024x128xf32>
      tpu.vector_store %arg7[%swap3A_128, %swap3A_129], %add3A_127 {strides = array<i32>} : memref<4096x128xf32, #tpu.memory_space<vmem>>, vector<1024x128xf32>,
    } else {
    }
    return
  }
  func.func @transform_0(%arg0: i32, %arg1: memref<12xi32, #tpu.memory_space<smem>>, %arg2: memref<12xi32, #tpu.memory_space<smem>>) -> (i32, i32) {
    %get3A = arith.index_cast %arg0 : i32 to index
    %get3A_0 = memref.load %arg1[%get3A] : memref<12xi32, #tpu.memory_space<smem>>
    %get3A_1 = arith.index_cast %arg0 : i32 to index
    %get3A_2 = memref.load %arg2[%get3A_1] : memref<12xi32, #tpu.memory_space<smem>>
    %c0_i32 = arith.constant 0 : i32
    return %get3A_0, %get3A_2 : i32, i32
  }
  func.func @transform_1(%arg0: i32, %arg1: memref<12xi32, #tpu.memory_space<smem>>, %arg2: memref<12xi32, #tpu.memory_space<smem>>) -> (i32, i32) {
    %c0_i32 = arith.constant 0 : i32
    %c0_i32_0 = arith.constant 0 : i32
    %c0_i32_1 = arith.constant 0 : i32
    return %c0_i32, %c0_i32_0 : i32, i32
  }
  func.func @transform_2(%arg0: i32, %arg1: memref<12xi32, #tpu.memory_space<smem>>, %arg2: memref<12xi32, #tpu.memory_space<smem>>) -> (i32, i32) {
    %c0_i32 = arith.constant 0 : i32
    %c0_i32_0 = arith.constant 0 : i32
    %c0_i32_1 = arith.constant 0 : i32
    return %c0_i32, %c0_i32_0 : i32, i32
  }
  func.func @transform_4(%arg0: i32, %arg1: memref<12xi32, #tpu.memory_space<smem>>, %arg2: memref<12xi32, #tpu.memory_space<smem>>) -> (i32, i32) {
    %c0_i32 = arith.constant 0 : i32
    %c0_i32_0 = arith.constant 0 : i32
    %c0_i32_1 = arith.constant 0 : i32
    return %c0_i32, %c0_i32_0 : i32, i32
  }
  func.func @transform_5(%arg0: i32, %arg1: memref<12xi32, #tpu.memory_space<smem>>, %arg2: memref<12xi32, #tpu.memory_space<smem>>) -> (i32, i32) {
    %c0_i32 = arith.constant 0 : i32
    %c0_i32_0 = arith.constant 0 : i32
    %c0_i32_1 = arith.constant 0 : i32
    return %c0_i32, %c0_i32_0 : i32, i32
  }
}

</mosaic_0001>

<sc_bundles>
// kernel: kernel.4.cloned.1.call-start
scs
__scs_entry_jumppad:
0x0: {  	(pc) =	sbr.rel $0x88, $3  }
0x1: {  	(tag) =	ssettag $0x0;
	lr =	simm.s32 $0x1  }
0x2: {  	[smem:$0x3F9E] =	sst lr;
	_ =	strace $0xD0000000  }
0x3: {  	_ = 	snop  }
0x4: {  	_ = 	snop  }
0x5: {  	_ = 	snop  }
0x6: {  	_ = 	snop  }
0x7: {  	_ = 	snop  }
__scs_overlays_trampoline_lowered:
0x8: {  	[smem:$0x3FAD] =	sst s0  }
0x9: {  	[smem:$0x3FAE] =	sst s1  }
0xa: {  	[smem:$0x3FAF] =	sst s2  }
0xb: {  	[smem:$0x3FB0] =	sst s3  }
0xc: {  	[smem:$0x3FB1] =	sst s4  }
0xd: {  	[smem:$0x3FB2] =	sst s5  }
0xe: {  	[smem:$0x3FB3] =	sst s6  }
0xf: {  	[smem:$0x3FB4] =	sst s7  }
0x10: {  	[smem:$0x3FB5] =	sst s8  }
0x11: {  	[smem:$0x3FB6] =	sst s9;
	s0 =	simm.s32 @!p0 $0x0  }
0x12: {  	s1 =	sld [smem:$0x3F9C];
	s0 =	simm.s32 @p0 $0x1  }
0x13: {  	[smem:$0x3FB7] =	sst s0;
	s0 =	simm.s32 @!p1 $0x0  }
0x14: {  	s2 =	sld [smem:$0x3F9B];
	s0 =	simm.s32 @p1 $0x1  }
0x15: {  	[smem:$0x3FB8] =	sst s0;
	s0 =	simm.s32 @!p2 $0x0  }
0x16: {  	s3 =	sld [smem:$0x3FDB];
	s0 =	simm.s32 @p2 $0x1  }
0x17: {  	s4 =	simm.s32 $0x1BF5;
	[smem:$0x3FBA] =	sst s0  }
0x18: {  	s0 =	sld [smem:$0x3F9D];
	_ =	swait.ge [sflag:s4], $0x0  }
0x19: {  	s7 =	sld [smem:$0x3F9E]  }
0x1a: {  	s8 =	sadd.s32 $0xFFFFE003, lr  }
0x1b: {  	s9 =	sadd.s32 $0xFFFFFEF7, lr;
	s5 =	simm.s32 $0xFFFFFFFF;
	p2 =	slt.u32 s8, $0xFFFFF086  }
0x1c: {  	p1 =	slt.u32 s9, $0xF7A;
	s5 =	simm.s32 @!p2 $0x0  }
0x1d: {  	s5 =	simm.s32 @p1 $0x1;
	p0 =	seq.s32 s7, s2  }
0x1e: {  	s7 =	smul.u32 @!p0 $0xF7A, s2;
	p2 =	seq.s32 @!p0 s5, $0x0  }
0x1f: {  	s9 =	smul.u32 $0xF7A, s1;
	s8 =	simm.s32 @!p0 $0x1BF5;
	p2 =	por !p2, p0  }
0x20: {  	[sflag:s8] =	ssyncset.s32 @!p0 $0xFFFFF086;
	s6 =	sadd.s32 @!p0 s3, s7;
	s7 =	simm.s32 @!p0 $0x108  }
0x21: {  	s3 =	sadd.s32 s3, s9;
	s6 =	sadd.s32 @!p0 $0x88, s6;
	s7 =	simm.s32 @p2 $0x1082  }
0x22: {  	[simem:s7], [sflag:s8] =	dma.local @!p0 [hbm:s6], $0xF7A  }
0x23: {  	s9 =	sor.u32 $0xD0000000, s2;
	s6 =	simm.s32 $0x108;
	_ =	swait.ge @!p0 [sflag:s8], $0x0  }
0x24: {  	s3 =	sadd.s32 $0x88, s3;
	s6 =	simm.s32 @!p1 $0x1082;
	[sflag:s4] =	ssyncset.s32 $0xFFFFF086  }
0x25: {  	[simem:s6], [sflag:s4] =	dma.local [hbm:s3], $0xF7A  }
0x26: {  	[smem:$0x3F9E] =	sst s1;
	(tag) =	ssettag s2;
	_ =	strace s9  }
0x27: {  	s1 =	sld [smem:$0x3FAE]  }
0x28: {  	s2 =	sld [smem:$0x3FAF]  }
0x29: {  	s4 =	sld [smem:$0x3FB1]  }
0x2a: {  	p0 =	seq.s32 s5, $0x0;
	s5 =	sld [smem:$0x3FB2]  }
0x2b: {  	s6 =	sld [smem:$0x3FB3]  }
0x2c: {  	s7 =	sld [smem:$0x3FB4]  }
0x2d: {  	s3 =	simm.s32 $0x108;
	s8 =	sld [smem:$0x3FB5]  }
0x2e: {  	s3 =	simm.s32 @!p0 $0x1082;
	s9 =	sld [smem:$0x3FB6]  }
0x2f: {  	lr =	sadd.s32 s0, s3;
	s0 =	sld [smem:$0x3FAD]  }
0x30: {  	s3 =	sld [smem:$0x3FB0]  }
0x31: {  	[smem:$0x3FB9] =	sst s10  }
0x32: {  	s10 =	sld [smem:$0x3FB7];
	_ =	sdelay $0x3  }
0x33: {  	p0 =	seq.s32 s10, $0x1;
	s10 =	sld [smem:$0x3FB9];
	_ =	sdelay $0x3  }
0x34: {  	[smem:$0x3FB9] =	sst s10  }
0x35: {  	s10 =	sld [smem:$0x3FB8];
	_ =	sdelay $0x3  }
0x36: {  	p1 =	seq.s32 s10, $0x1;
	s10 =	sld [smem:$0x3FB9];
	_ =	sdelay $0x3  }
0x37: {  	[smem:$0x3FB9] =	sst s10  }
0x38: {  	s10 =	sld [smem:$0x3FBA]  }
0x39: {  	_ = 	snop;
	(pc) =	sbr.ind lr, $3  }
0x3a: {  	_ = 	snop  }
0x3b: {  	_ = 	snop  }
0x3c: {  	p2 =	seq.s32 s10, $0x1;
	s10 =	sld [smem:$0x3FB9]  }
0x3d: {  	_ =	shalt  }
0x3e: {  	_ =	shalt  }
0x3f: {  	_ =	shalt  }
0x40: {  	_ =	shalt  }
0x41: {  	_ =	shalt  }
0x42: {  	_ =	shalt  }
0x43: {  	_ =	shalt  }
0x44: {  	_ =	shalt  }
0x45: {  	_ =	shalt  }
0x46: {  	_ =	shalt  }
0x47: {  	_ =	shalt  }
0x48: {  	_ =	shalt  }
0x49: {  	_ =	shalt  }
0x4a: {  	_ =	shalt  }
0x4b: {  	_ =	shalt  }
0x4c: {  	_ =	shalt  }
0x4d: {  	_ =	shalt  }
0x4e: {  	_ =	shalt  }
0x4f: {  	_ =	shalt  }
0x50: {  	_ =	shalt  }
0x51: {  	_ =	shalt  }
0x52: {  	_ =	shalt  }
0x53: {  	_ =	shalt  }
0x54: {  	_ =	shalt  }
0x55: {  	_ =	shalt  }
0x56: {  	_ =	shalt  }
0x57: {  	_ =	shalt  }
0x58: {  	_ =	shalt  }
0x59: {  	_ =	shalt  }
0x5a: {  	_ =	shalt  }
0x5b: {  	_ =	shalt  }
0x5c: {  	_ =	shalt  }
0x5d: {  	_ =	shalt  }
0x5e: {  	_ =	shalt  }
0x5f: {  	_ =	shalt  }
0x60: {  	_ =	shalt  }
0x61: {  	_ =	shalt  }
0x62: {  	_ =	shalt  }
0x63: {  	_ =	shalt  }
0x64: {  	_ =	shalt  }
0x65: {  	_ =	shalt  }
0x66: {  	_ =	shalt  }
0x67: {  	_ =	shalt  }
0x68: {  	_ =	shalt  }
0x69: {  	_ =	shalt  }
0x6a: {  	_ =	shalt  }
0x6b: {  	_ =	shalt  }
0x6c: {  	_ =	shalt  }
0x6d: {  	_ =	shalt  }
0x6e: {  	_ =	shalt  }
0x6f: {  	_ =	shalt  }
0x70: {  	_ =	shalt  }
0x71: {  	_ =	shalt  }
0x72: {  	_ =	shalt  }
0x73: {  	_ =	shalt  }
0x74: {  	_ =	shalt  }
0x75: {  	_ =	shalt  }
0x76: {  	_ =	shalt  }
0x77: {  	_ =	shalt  }
0x78: {  	_ =	shalt  }
0x79: {  	_ =	shalt  }
0x7a: {  	_ =	shalt  }
0x7b: {  	_ =	shalt  }
0x7c: {  	_ =	shalt  }
0x7d: {  	_ =	shalt  }
0x7e: {  	_ =	shalt  }
0x7f: {  	_ =	shalt  }
0x80: {  	_ =	shalt  }
0x81: {  	_ =	shalt  }
0x82: {  	_ =	shalt  }
0x83: {  	_ =	shalt  }
0x84: {  	_ =	shalt  }
0x85: {  	_ =	shalt  }
0x86: {  	_ =	shalt  }
0x87: {  	_ =	shalt  }
.Lfunc_end0:
.L_simem_size_0:
called_computation_lowered:
.L_overlay_start_0:
0x88: {  	s2 =	sld [smem:$0x3FD9]  }
0x89: {  	s3 =	sld [smem:$0x3FFE];
	_ =	sdelay $0x1  }
0x8a: {  	s1 =	srdreg.scid  }
0x8b: {  	s0 =	sand.u32 $0x1, s1  }
0x8c: {  	s17 =	sshll.u32 s0, $0xA;
	s2 =	sadd.s32 s3, s2  }
0x8d: {  	s2 =	sadd.s32 s2, s17  }
0x8e: {  	[smem:$0x3FC5] =	sst s2  }
0x8f: {  	_ = 	snop  }
0x90: {  	s2 =	sld [smem:$0x3FD0];
	(tm) =	ssettm $0x1  }
0x91: {  	s18 =	sld [smem:$0x3FFB];
	_ =	sdelay $0x3  }
0x92: {  	_ =	strace s18  }
0x93: {  	s3 =	sld [smem:$0x3FFC];
	_ =	sdelay $0x3  }
0x94: {  	_ =	strace s3  }
0x95: {  	s3 =	sld [smem:$0x3FFD];
	_ =	sdelay $0x3  }
0x96: {  	_ =	strace s3  }
0x97: {  	_ =	strace $0x8FFFFFFF  }
0x98: {  	s19 =	sld [smem:$0x3FDB];
	_ =	sdelay $0x1  }
0x99: {  	s4 =	simm.s32 $_scs_section_size  }
0x9a: {  	s5 =	simm.s32 $_size__tile_overlayer_lowered;
	s6 =	simm.s32 $_tile_overlayer_lowered  }
0x9b: {  	s22 =	simm.s32 $0x1BFF;
	s21 =	sshll.u32 s6, $0x1;
	s3 =	sadd.s32 s4, s19  }
0x9c: {  	s7 =	simm.s32 $0x0;
	s20 =	sshll.u32 s5, $0x1;
	s5 =	sadd.s32 s21, s3  }
0x9d: {  	[timem:s7], [sflag:s22] =	dma.local [hbm:s5], s20  }
0x9e: {  	_ =	swait.ge [sflag:s22], s20  }
0x9f: {  	s4 =	ssub.s32 $0x0, s20;
	[sflag:s22] =	ssyncset.done $0x0  }
0xa0: {  	[sflag:s22] =	ssyncadd.s32 s4;
	_ =	sdelay $0x1  }
0xa1: {  	s23 =	simm.s32 $0x1B8B  }
0xa2: {  	_ =	swait.ge [sflag:s23], $0x1  }
0xa3: {  	[sflag:s23] =	ssyncset.done $0x0  }
0xa4: {  	s25 =	simm.s32 $0x1B8E;
	s24 =	sld [smem:$0x3FFE];
	[sflag:s23] =	ssyncadd.s32 $0xFFFFFFFF  }
0xa5: {  	s26 =	simm.s32 $execute0_lowered;
	[smem:$0x3FD2] =	sst s25  }
0xa6: {  	s5 =	sshll.u32 s26, $0x1;
	_ =	strace $0x80000046;
	[dreg:$0x1] =	wrdreg $0xFFFFFFFF  }
0xa7: {  	s28 =	simm.s32 $_size_execute0_lowered;
	s3 =	sadd.s32 s3, s5;
	[dreg:$0x0] =	wrdreg $0x0  }
0xa8: {  	s5 =	sshll.u32 s28, $0x1;
	[dreg:$0x2] =	wrdreg s3  }
0xa9: {  	[dreg:$0x3] =	wrdreg s5  }
0xaa: {  	[dreg:$0x4] =	wrdreg $0xC0  }
0xab: {  	_ =	task [dreg:s7], $0x5FFFF  }
0xac: {  	[dreg:$0x1] =	wrdreg $0xFFFFFFFF  }
0xad: {  	[dreg:$0x0] =	wrdreg $0x60  }
0xae: {  	[dreg:$0x2] =	wrdreg s24  }
0xaf: {  	[dreg:$0x3] =	wrdreg s2  }
0xb0: {  	[dreg:$0x4] =	wrdreg $0x9  }
0xb1: {  	_ =	task.clear_ibuf [dreg:s7], $0x5FFFF;
	_ =	strace $0x90000046  }
0xb2: {  	s29 =	simm.s32 $0x9;
	_ =	strace $0x80000048  }
0xb3: {  	_ =	swait.ge [sflag:s29], $0x1  }
0xb4: {  	[sflag:s29] =	ssyncadd.s32 $0xFFFFFFFF  }
0xb5: {  	_ =	strace $0x90000048  }
0xb6: {  	_ =	sfence  }
0xb7: {  	s30 =	sld [smem:$0x0];
	_ =	sdelay $0x2  }
0xb8: {  	s31 =	sshll.u32 s1, $0xD;
	s1 =	sshrl.u32 s1, $0x2  }
0xb9: {  	s3 =	sand.u32 $0x4000, s31;
	s1 =	sadd.s32 s1, s30  }
0xba: {  	s0 =	sor.u32 s3, s0;
	s1 =	sshll.u32 s1, $0x11  }
0xbb: {  	s0 =	sor.u32 s1, s0  }
0xbc: {  	s0 =	sadd.s32 $0x8F2B, s0  }
0xbd: {  	[sflag:s0] =	ssyncadd.remote.s32 $0x1  }
0xbe: {  	_ =	sfence.sel $0xFFFF  }
0xbf: {  	[dreg:$0x0] =	wrdreg $0xFFFFFFFF;
	(pc) =	sbr.abs _section_cstart, $3  }
0xc0: {  	[dreg:$0x1] =	wrdreg $0xFFFFFFFF  }
0xc1: {  	_ =	task.clear_ibuf [dreg:s7], $0x2FFFF;
	_ =	strace $0x9FFFFFFF  }
0xc2: {  	(tm) =	ssettm $0x7FFFFFFF  }
0xc3: {  	_ =	shalt  }
tec
execute0_lowered:
.L_overlay_start_1:
0x0: {  	(tag) =	ssettag $0x1  }
0x1: {  	s1 =	srdreg.scid  }
0x2: {  	s0 =	stileid.u32;
	s6 =	sand.u32 $0x1, s1  }
0x3: {  	s5 =	rddreg [dreg:$0x0];
	s30 =	sshll.u32 s0, $0x7;
	s2 =	sshll.u32 s6, $0x6  }
0x4: {  	s9 =	rddreg [dreg:$0x1];
	s7 =	simm.s32 $0x80;
	s10 =	sor.u32 s2, s30  }
0x5: {  	s1 =	rddreg [dreg:$0x2];
	s2 =	simm.s32 $0x0;
	s3 =	sshrl.u32 s10, $0x3  }
0x6: {  	s11 =	ssub.s32 $0x2, s6;
	[smem:$0x7FF] =	sst s2;
	s3 =	sadd.s32 s3, s5  }
0x7: {  	_ =	strace $0x80000047;
	s4 =	sadd.s32 $0x11000, s3;
	s3 =	simm.s32 $0x2  }
0x8: {  	[tilespmem:s2], [sflag:$0x2] =	stream.linear.gather [hbm4b:s4+s2], $0x40, $0x38;
	[tilespmem:$0x2080] =	vst v63  }
0x9: {  	s8 =	simm.s32 $0x1;
	s12 =	sshrl.u32 s11, $0x1;
	_ =	swait.ge [sflag:s3], $0x40  }
0xa: {  	s6 =	simm.s32 $0x40;
	s11 =	ssub.s32 s11, s12;
	[sflag:s3] =	ssyncset.done $0x0  }
0xb: {  	s5 =	sadd.s32 $0x1000, s5;
	s31 =	smax.u32 s11, $0x1;
	[sflag:s3] =	ssyncadd.s32 $0xFFFFFFC0  }
0xc: {  	[tilespmem:s7], [sflag:$0x1] =	stream.indirect.gather [hbm4b:s5+s6], $0x80, s2, s6, $0xb8;
	[tilespmem:$0x2080] =	vst v63  }
0xd: {  	p0 =	sne.s32 s31, $0x1;
	_ =	swait.ge [sflag:s8], $0x2000  }
.Ltmp0:
0xe: {  	s10 =	sshll.u32 s10, $0x4;
	[sflag:s8] =	ssyncset.done $0x0;
	(pc) =	sbr.rel @!p0 .LBB2_2-.Ltmp0, $4  }
0xf: {  	s9 =	sadd.s32 s9, s10;
	[sflag:s8] =	ssyncadd.s32 $0xFFFFE000  }
0x10: {  	[hbm4b:s9+s2] =	stream.linear.scatter [tilespmem:s7], [sflag:$0x2], $0x2000, $0x38;
	[tilespmem:$0x2080] =	vst v63  }
0x11: {  	_ =	swait.ge [sflag:s3], $0x2000  }
0x12: {  	s10 =	sadd.s32 $0xFFFFFFFF, s31;
	[sflag:s3] =	ssyncset.done $0x0  }
.LBB2_1:
0x13: {  	p0 =	sne.s32 s10, $0x1;
	s10 =	sadd.s32 $0xFFFFFFFF, s10;
	[sflag:s3] =	ssyncadd.s32 $0xFFFFE000  }
0x14: {  	[tilespmem:s2], [sflag:$0x2] =	stream.linear.gather [hbm4b:s4+s2], $0x40, $0x38;
	[tilespmem:$0x2080] =	vst v63  }
0x15: {  	_ =	swait.ge [sflag:s3], $0x40  }
0x16: {  	[sflag:s3] =	ssyncset.done $0x0  }
0x17: {  	[sflag:s3] =	ssyncadd.s32 $0xFFFFFFC0  }
0x18: {  	[tilespmem:s7], [sflag:$0x1] =	stream.indirect.gather [hbm4b:s5+s6], $0x80, s2, s6, $0xb8;
	[tilespmem:$0x2080] =	vst v63  }
0x19: {  	_ =	swait.ge [sflag:s8], $0x2000  }
.Ltmp1:
0x1a: {  	[sflag:s8] =	ssyncset.done $0x0;
	(pc) =	sbr.rel @p0 .LBB2_1-.Ltmp1, $4  }
0x1b: {  	[sflag:s8] =	ssyncadd.s32 $0xFFFFE000  }
0x1c: {  	[hbm4b:s9+s2] =	stream.linear.scatter [tilespmem:s7], [sflag:$0x2], $0x2000, $0x38;
	[tilespmem:$0x2080] =	vst v63  }
0x1d: {  	_ =	swait.ge [sflag:s3], $0x2000  }
0x1e: {  	[sflag:s3] =	ssyncset.done $0x0  }
.LBB2_2:
0x1f: {  	[sflag:s3] =	ssyncadd.s32 $0xFFFFE000  }
0x20: {  	_ =	sfence.sel $0x180000  }
0x21: {  	[bflag:$0x0] =	sbarrier.arrive $0xFFFF  }
0x22: {  	p0 =	sne.s32 s0, $0x0;
	_ =	strace $0x90000047  }
0x23: {  	s0 =	sadd.s32 @!p0 $0x100000, s1;
	[bflag:$0x2] =	sbarrier.arrive $0xFFFF  }
0x24: {  	[sflag:s0] =	ssyncadd.tile.s32 @!p0 $0x1;
	_ =	shalt  }
.Lfunc_end2:
_tile_overlayer_lowered:
.L_overlay_start_2:
0x25: {  	(tag) =	ssettag $0x2  }
0x26: {  	s0 =	rddreg [dreg:$0x0];
	s2 =	stileid.u32  }
0x27: {  	s1 =	rddreg [dreg:$0x1];
	p0 =	sne.s32 s2, $0x0  }
0x28: {  	s3 =	rddreg [dreg:$0x2];
	[bflag:$0x3] =	sbarrier.arrive $0xFFFF;
	s2 =	simm.s32 @!p0 $0x1C02  }
0x29: {  	[timem:s3], [sflag:s2] =	dma.local @!p0 [hbm:s0], s1  }
0x2a: {  	s0 =	simm.s32 @!p0 $0x2  }
0x2b: {  	_ =	swait.ge @!p0 [sflag:s0], s1  }
0x2c: {  	s1 =	ssub.s32 @!p0 $0x0, s1;
	[sflag:s0] =	ssyncset.done @!p0 $0x0  }
0x2d: {  	[sflag:s0] =	ssyncadd.s32 @!p0 s1  }
0x2e: {  	[bflag:$0x3] =	sbarrier.arrive $0xFFFF  }
0x2f: {  	_ =	shalt  }

</sc_bundles>
